<compile_context>
chip_gen: v7x
topology: tpu7x:2x2x1
jax: 0.10.2.dev20260603
libtpu: 0.0.44.dev20260713+nightly
codegen_flags: <defaults>
</compile_context>

<pallas_src>
import functools

import jax
import jax.numpy as jnp
import numpy as np
from jax import lax
from jax.experimental import pallas as pl
from jax.experimental.pallas import tpu as pltpu
from jax.experimental.pallas import tpu_sc as plsc

NW = 32
LANES = 16

_PERM_CACHE = {}


def _perm_chunks(n, c, rows):
    key = (n, c, rows)
    total = (NW - 1) * c + rows
    if key not in _PERM_CACHE:
        try:
            with jax.ensure_compile_time_eval():
                p = np.arange(n, dtype=np.int32)
            pp = np.zeros((total,), np.int32)
            pp[:n] = p
            out = np.empty((NW, 3, rows), np.int32)
            for w in range(NW):
                for cc in range(3):
                    out[w, cc] = pp[w * c : w * c + rows] + cc * n
            _PERM_CACHE[key] = out.reshape(NW, 3 * rows)
        except Exception:
            p = jax.random.permutation(jax.random.key(42), n).astype(jnp.int32)
            pp = jnp.zeros((total,), jnp.int32).at[:n].set(p)
            gat = np.add.outer(np.arange(NW) * c, np.arange(rows))
            tab = pp[gat][:, None, :] + (np.arange(3) * n)[None, :, None]
            return tab.reshape(NW, 3 * rows)
    return _PERM_CACHE[key]


def _vsqrt(x):
    i = lax.bitcast_convert_type(x, jnp.int32)
    y = lax.bitcast_convert_type(jnp.int32(0x5F3759DF) - (i >> 1), jnp.float32)
    xh = x * 0.5
    y = y * (1.5 - xh * y * y)
    y = y * (1.5 - xh * y * y)
    return x * y


@functools.cache
def _make_sc_call(n):
    nd = n - 1
    c = -(-nd // NW)
    c = -(-c // LANES) * LANES
    nb = c // LANES
    rows = -(-(c + LANES) // 8) * 8
    tail = n - (NW - 1) * c

    mesh = plsc.VectorSubcoreMesh(core_axis_name="c", subcore_axis_name="s")

    @functools.partial(
        pl.kernel,
        out_type=jax.ShapeDtypeStruct((NW, 2 * LANES), jnp.float32),
        mesh=mesh,
        scratch_types=[
            pltpu.VMEM((3 * rows,), jnp.int32),
            pltpu.VMEM((3 * rows,), jnp.float32),
            pltpu.VMEM((3 * rows,), jnp.float32),
            pltpu.VMEM((2 * LANES,), jnp.float32),
            pltpu.SemaphoreType.DMA,
        ],
    )
    def sc_call(xtf_hbm, p3_hbm, out_hbm, idx_v, gbuf, xbuf, obuf, sem):
        wid = lax.axis_index("c") * 16 + lax.axis_index("s")
        base = wid * c

        pltpu.sync_copy(p3_hbm.at[wid], idx_v)
        gather = pltpu.make_async_copy(xtf_hbm.at[idx_v], gbuf, sem)
        gather.start()

        @pl.when(wid < NW - 1)
        def _():
            for cc in range(3):
                pltpu.sync_copy(
                    xtf_hbm.at[pl.ds(cc * n + base, rows)],
                    xbuf.at[pl.ds(cc * rows, rows)],
                )

        @pl.when(wid == NW - 1)
        def _():
            for cc in range(3):
                pltpu.sync_copy(
                    xtf_hbm.at[pl.ds(cc * n + base, tail)],
                    xbuf.at[pl.ds(cc * rows, tail)],
                )

        lane = lax.iota(jnp.int32, LANES)
        zeros = jnp.zeros((LANES,), jnp.float32)

        def dist2(ref, off):
            s = None
            for cc in range(3):
                a = ref[pl.ds(cc * rows + off, LANES)]
                b = ref[pl.ds(cc * rows + off + 1, LANES)]
                d = b - a
                s = d * d if s is None else s + d * d
            return s

        def make_body(ref):
            def body(b, acc):
                off = b * LANES
                valid = (base + off + lane) < nd
                return acc + jnp.where(valid, _vsqrt(dist2(ref, off)), zeros)
            return body

        acc_s = lax.fori_loop(0, nb, make_body(xbuf), zeros)
        gather.wait()
        acc_r = lax.fori_loop(0, nb, make_body(gbuf), zeros)

        obuf[pl.ds(0, LANES)] = acc_s
        obuf[pl.ds(LANES, LANES)] = acc_r
        pltpu.sync_copy(obuf, out_hbm.at[wid])

    return sc_call, c, rows


def kernel(xyz, sort_idx):
    del sort_idx
    n = xyz.shape[0]
    sc_call, c, rows = _make_sc_call(n)
    p3 = jnp.asarray(_perm_chunks(n, c, rows))
    xtf = xyz.T.reshape(-1)
    parts = sc_call(xtf, p3).reshape(NW, 2, LANES)
    sum_sorted = parts[:, 0, :].sum()
    sum_rand = parts[:, 1, :].sum()
    mean_sorted = sum_sorted / (n - 1)
    mean_rand = sum_rand / (n - 1)
    score = mean_rand / (mean_sorted + 1e-6)
    return jnp.clip(score, 0.0, 1.0).astype(jnp.float32)

# --- scband reference (transcript-rebuilt; emitter-appended) ---
"""Pipeline reference for scband-serialization-performance-evaluator-8761733284546 (READ-ONLY COPY).

The authoritative reference and input builder live on the scoring server;
editing this copy changes nothing except your own understanding.
"""

import jax, jax.numpy as jnp
import numpy as np

N = 200000

def setup_inputs(seed: int = 0) -> dict:
    key = jax.random.key(seed)
    k1, k2 = jax.random.split(key)
    xyz = jax.random.normal(k1, (N, 3), dtype=jnp.float32)
    sort_idx = jnp.arange(N, dtype=jnp.int64)
    return {"xyz": xyz, "sort_idx": sort_idx}

def reference(xyz, sort_idx):
    # Faithful port of SerializationPerformanceEvaluator._compute_locality_score
    if xyz.shape[0] < 2:
        return jnp.asarray(0.5, dtype=jnp.float32)
    sorted_xyz = xyz[sort_idx]
    consecutive_distances = jnp.linalg.norm(sorted_xyz[1:] - sorted_xyz[:-1], axis=1)
    # torch.randperm -> deterministic jax permutation (fixed key)
    random_idx = jax.random.permutation(jax.random.key(42), xyz.shape[0])
    random_xyz = xyz[random_idx]
    random_distances = jnp.linalg.norm(random_xyz[1:] - random_xyz[:-1], axis=1)
    locality_score = random_distances.mean() / (consecutive_distances.mean() + 1e-06)
    return jnp.clip(locality_score, 0.0, 1.0)

if __name__ == "__main__":
    import jax
    _d = setup_inputs()
    print(jax.jit(kernel)(*tuple(_d.values())))

</pallas_src>

<mosaic_0001>
#map = affine_map<(d0, d1) -> (0)>
#map1 = affine_map<(d0, d1) -> (0, 0)>
module attributes {stable_mosaic.version = 14 : i64} {
  func.func @sc_call(%arg0: i32, %arg1: i32, %arg2: memref<600000xf32, #tpu.memory_space<hbm>>, %arg3: memref<32x18816xi32, #tpu.memory_space<hbm>>, %arg4: memref<32x32xf32, #tpu.memory_space<hbm>>, %arg5: memref<18816xi32, #tpu.memory_space<vmem>>, %arg6: memref<18816xf32, #tpu.memory_space<vmem>>, %arg7: memref<18816xf32, #tpu.memory_space<vmem>>, %arg8: memref<32xf32, #tpu.memory_space<vmem>>, %arg9: memref<!tpu.dma_semaphore, #tpu.memory_space<semaphore_mem>>) attributes {dimension_semantics = [#tpu.dimension_semantics<core_parallel>, #tpu.dimension_semantics<subcore_parallel>], iteration_bounds = array<i64: 2, 16>, scalar_prefetch = 0 : i64, scratch_operands = 5 : i64, tpu.core_type = #tpu.core_type<sc_vector_subcore>, window_params = [{transform_indices = #map}, {transform_indices = #map1}, {transform_indices = #map1}]} {
    %mul3A = arith.constant 16 : i32
    %mul3A_0 = arith.muli %arg0, %mul3A : i32
    %add3A = arith.addi %mul3A_0, %arg1 : i32
    %mul3A_1 = arith.constant 6256 : i32
    %mul3A_2 = arith.muli %add3A, %mul3A_1 : i32
    "tpu.region"() ({
      %run_scoped3A = tpu.sem_alloc : memref<!tpu.dma_semaphore, #tpu.memory_space<semaphore_mem>>
      %dma_start3A_30 = arith.constant 0 : i32
      %dma_start3A_31 = tpu.memref_slice %arg3[%add3A, %dma_start3A_30] : memref<32x18816xi32, #tpu.memory_space<hbm>> -> memref<1x18816xi32, #tpu.memory_space<hbm>>
      %dma_start3A_32 = tpu.memref_squeeze %dma_start3A_31 : memref<1x18816xi32, #tpu.memory_space<hbm>> -> memref<18816xi32, #tpu.memory_space<hbm>>
      %dma_start3A_33 = arith.constant 0 : i32
      %dma_start3A_34 = tpu.memref_slice %arg3[%add3A, %dma_start3A_33] : memref<32x18816xi32, #tpu.memory_space<hbm>> -> memref<1x18816xi32, #tpu.memory_space<hbm>>
      %dma_start3A_35 = tpu.memref_squeeze %dma_start3A_34 : memref<1x18816xi32, #tpu.memory_space<hbm>> -> memref<18816xi32, #tpu.memory_space<hbm>>
      tpu.enqueue_dma source(%dma_start3A_35 : memref<18816xi32, #tpu.memory_space<hbm>>) target(%arg5 : memref<18816xi32, #tpu.memory_space<vmem>>) target_semaphore(%run_scoped3A : memref<!tpu.dma_semaphore, #tpu.memory_space<semaphore_mem>>)
      %dma_wait3A_36 = arith.constant 0 : i32
      %dma_wait3A_37 = tpu.memref_slice %arg3[%add3A, %dma_wait3A_36] : memref<32x18816xi32, #tpu.memory_space<hbm>> -> memref<1x18816xi32, #tpu.memory_space<hbm>>
      %dma_wait3A_38 = tpu.memref_squeeze %dma_wait3A_37 : memref<1x18816xi32, #tpu.memory_space<hbm>> -> memref<18816xi32, #tpu.memory_space<hbm>>
      %dma_wait3A_39 = arith.constant 0 : i32
      %dma_wait3A_40 = tpu.memref_slice %arg3[%add3A, %dma_wait3A_39] : memref<32x18816xi32, #tpu.memory_space<hbm>> -> memref<1x18816xi32, #tpu.memory_space<hbm>>
      %dma_wait3A_41 = tpu.memref_squeeze %dma_wait3A_40 : memref<1x18816xi32, #tpu.memory_space<hbm>> -> memref<18816xi32, #tpu.memory_space<hbm>>
      tpu.wait_dma2 semaphore(%run_scoped3A : memref<!tpu.dma_semaphore, #tpu.memory_space<semaphore_mem>>) src(%dma_wait3A_41 : memref<18816xi32, #tpu.memory_space<hbm>>) dst(%arg5 : memref<18816xi32, #tpu.memory_space<vmem>>)
      tpu.yield
    }) : () -> ()
    %dma_start3A = arith.constant 0 : i32
    %dma_start3A_3 = tpu.memref_slice %arg2[%dma_start3A] : memref<600000xf32, #tpu.memory_space<hbm>> -> memref<600000xf32, #tpu.memory_space<hbm>>
    tpu.enqueue_indirect_dma source(%dma_start3A_3 : memref<600000xf32, #tpu.memory_space<hbm>>) target(%arg6 : memref<18816xf32, #tpu.memory_space<vmem>>) offsets(%arg5 : memref<18816xi32, #tpu.memory_space<vmem>>) semaphore(%arg9 : memref<!tpu.dma_semaphore, #tpu.memory_space<semaphore_mem>>)
    %lt3A = arith.constant 31 : i32
    %lt3A_4 = arith.cmpi slt, %add3A, %lt3A : i32
    %convert_element_type3A = arith.extui %lt3A_4 : i1 to i32
    %cond3A = arith.constant 0 : i32
    %cond3A_5 = arith.cmpi ne, %convert_element_type3A, %cond3A : i32
    scf.if %cond3A_5 {
      %add3A_30 = arith.constant 0 : i32
      %add3A_31 = arith.addi %add3A_30, %mul3A_2 : i32
      "tpu.region"() ({
        %run_scoped3A = tpu.sem_alloc : memref<!tpu.dma_semaphore, #tpu.memory_space<semaphore_mem>>
        %dma_start3A_36 = arith.constant 0 : i32
        %dma_start3A_37 = tpu.memref_slice %arg7[%dma_start3A_36] : memref<18816xf32, #tpu.memory_space<vmem>> -> memref<6272xf32, #tpu.memory_space<vmem>>
        %dma_start3A_38 = tpu.memref_slice %arg2[%add3A_31] : memref<600000xf32, #tpu.memory_space<hbm>> -> memref<6272xf32, #tpu.memory_space<hbm>>
        %dma_start3A_39 = arith.constant 0 : i32
        %dma_start3A_40 = tpu.memref_slice %arg7[%dma_start3A_39] : memref<18816xf32, #tpu.memory_space<vmem>> -> memref<6272xf32, #tpu.memory_space<vmem>>
        %dma_start3A_41 = tpu.memref_slice %arg2[%add3A_31] : memref<600000xf32, #tpu.memory_space<hbm>> -> memref<6272xf32, #tpu.memory_space<hbm>>
        tpu.enqueue_dma source(%dma_start3A_41 : memref<6272xf32, #tpu.memory_space<hbm>>) target(%dma_start3A_40 : memref<6272xf32, #tpu.memory_space<vmem>>) target_semaphore(%run_scoped3A : memref<!tpu.dma_semaphore, #tpu.memory_space<semaphore_mem>>)
        %dma_wait3A_42 = arith.constant 0 : i32
        %dma_wait3A_43 = tpu.memref_slice %arg7[%dma_wait3A_42] : memref<18816xf32, #tpu.memory_space<vmem>> -> memref<6272xf32, #tpu.memory_space<vmem>>
        %dma_wait3A_44 = tpu.memref_slice %arg2[%add3A_31] : memref<600000xf32, #tpu.memory_space<hbm>> -> memref<6272xf32, #tpu.memory_space<hbm>>
        %dma_wait3A_45 = arith.constant 0 : i32
        %dma_wait3A_46 = tpu.memref_slice %arg7[%dma_wait3A_45] : memref<18816xf32, #tpu.memory_space<vmem>> -> memref<6272xf32, #tpu.memory_space<vmem>>
        %dma_wait3A_47 = tpu.memref_slice %arg2[%add3A_31] : memref<600000xf32, #tpu.memory_space<hbm>> -> memref<6272xf32, #tpu.memory_space<hbm>>
        tpu.wait_dma2 semaphore(%run_scoped3A : memref<!tpu.dma_semaphore, #tpu.memory_space<semaphore_mem>>) src(%dma_wait3A_47 : memref<6272xf32, #tpu.memory_space<hbm>>) dst(%dma_wait3A_46 : memref<6272xf32, #tpu.memory_space<vmem>>)
        tpu.yield
      }) : () -> ()
      %add3A_32 = arith.constant 200000 : i32
      %add3A_33 = arith.addi %add3A_32, %mul3A_2 : i32
      "tpu.region"() ({
        %run_scoped3A = tpu.sem_alloc : memref<!tpu.dma_semaphore, #tpu.memory_space<semaphore_mem>>
        %dma_start3A_36 = arith.constant 6272 : i32
        %dma_start3A_37 = tpu.memref_slice %arg7[%dma_start3A_36] : memref<18816xf32, #tpu.memory_space<vmem>> -> memref<6272xf32, #tpu.memory_space<vmem>>
        %dma_start3A_38 = tpu.memref_slice %arg2[%add3A_33] : memref<600000xf32, #tpu.memory_space<hbm>> -> memref<6272xf32, #tpu.memory_space<hbm>>
        %dma_start3A_39 = arith.constant 6272 : i32
        %dma_start3A_40 = tpu.memref_slice %arg7[%dma_start3A_39] : memref<18816xf32, #tpu.memory_space<vmem>> -> memref<6272xf32, #tpu.memory_space<vmem>>
        %dma_start3A_41 = tpu.memref_slice %arg2[%add3A_33] : memref<600000xf32, #tpu.memory_space<hbm>> -> memref<6272xf32, #tpu.memory_space<hbm>>
        tpu.enqueue_dma source(%dma_start3A_41 : memref<6272xf32, #tpu.memory_space<hbm>>) target(%dma_start3A_40 : memref<6272xf32, #tpu.memory_space<vmem>>) target_semaphore(%run_scoped3A : memref<!tpu.dma_semaphore, #tpu.memory_space<semaphore_mem>>)
        %dma_wait3A_42 = arith.constant 6272 : i32
        %dma_wait3A_43 = tpu.memref_slice %arg7[%dma_wait3A_42] : memref<18816xf32, #tpu.memory_space<vmem>> -> memref<6272xf32, #tpu.memory_space<vmem>>
        %dma_wait3A_44 = tpu.memref_slice %arg2[%add3A_33] : memref<600000xf32, #tpu.memory_space<hbm>> -> memref<6272xf32, #tpu.memory_space<hbm>>
        %dma_wait3A_45 = arith.constant 6272 : i32
        %dma_wait3A_46 = tpu.memref_slice %arg7[%dma_wait3A_45] : memref<18816xf32, #tpu.memory_space<vmem>> -> memref<6272xf32, #tpu.memory_space<vmem>>
        %dma_wait3A_47 = tpu.memref_slice %arg2[%add3A_33] : memref<600000xf32, #tpu.memory_space<hbm>> -> memref<6272xf32, #tpu.memory_space<hbm>>
        tpu.wait_dma2 semaphore(%run_scoped3A : memref<!tpu.dma_semaphore, #tpu.memory_space<semaphore_mem>>) src(%dma_wait3A_47 : memref<6272xf32, #tpu.memory_space<hbm>>) dst(%dma_wait3A_46 : memref<6272xf32, #tpu.memory_space<vmem>>)
        tpu.yield
      }) : () -> ()
      %add3A_34 = arith.constant 400000 : i32
      %add3A_35 = arith.addi %add3A_34, %mul3A_2 : i32
      "tpu.region"() ({
        %run_scoped3A = tpu.sem_alloc : memref<!tpu.dma_semaphore, #tpu.memory_space<semaphore_mem>>
        %dma_start3A_36 = arith.constant 12544 : i32
        %dma_start3A_37 = tpu.memref_slice %arg7[%dma_start3A_36] : memref<18816xf32, #tpu.memory_space<vmem>> -> memref<6272xf32, #tpu.memory_space<vmem>>
        %dma_start3A_38 = tpu.memref_slice %arg2[%add3A_35] : memref<600000xf32, #tpu.memory_space<hbm>> -> memref<6272xf32, #tpu.memory_space<hbm>>
        %dma_start3A_39 = arith.constant 12544 : i32
        %dma_start3A_40 = tpu.memref_slice %arg7[%dma_start3A_39] : memref<18816xf32, #tpu.memory_space<vmem>> -> memref<6272xf32, #tpu.memory_space<vmem>>
        %dma_start3A_41 = tpu.memref_slice %arg2[%add3A_35] : memref<600000xf32, #tpu.memory_space<hbm>> -> memref<6272xf32, #tpu.memory_space<hbm>>
        tpu.enqueue_dma source(%dma_start3A_41 : memref<6272xf32, #tpu.memory_space<hbm>>) target(%dma_start3A_40 : memref<6272xf32, #tpu.memory_space<vmem>>) target_semaphore(%run_scoped3A : memref<!tpu.dma_semaphore, #tpu.memory_space<semaphore_mem>>)
        %dma_wait3A_42 = arith.constant 12544 : i32
        %dma_wait3A_43 = tpu.memref_slice %arg7[%dma_wait3A_42] : memref<18816xf32, #tpu.memory_space<vmem>> -> memref<6272xf32, #tpu.memory_space<vmem>>
        %dma_wait3A_44 = tpu.memref_slice %arg2[%add3A_35] : memref<600000xf32, #tpu.memory_space<hbm>> -> memref<6272xf32, #tpu.memory_space<hbm>>
        %dma_wait3A_45 = arith.constant 12544 : i32
        %dma_wait3A_46 = tpu.memref_slice %arg7[%dma_wait3A_45] : memref<18816xf32, #tpu.memory_space<vmem>> -> memref<6272xf32, #tpu.memory_space<vmem>>
        %dma_wait3A_47 = tpu.memref_slice %arg2[%add3A_35] : memref<600000xf32, #tpu.memory_space<hbm>> -> memref<6272xf32, #tpu.memory_space<hbm>>
        tpu.wait_dma2 semaphore(%run_scoped3A : memref<!tpu.dma_semaphore, #tpu.memory_space<semaphore_mem>>) src(%dma_wait3A_47 : memref<6272xf32, #tpu.memory_space<hbm>>) dst(%dma_wait3A_46 : memref<6272xf32, #tpu.memory_space<vmem>>)
        tpu.yield
      }) : () -> ()
    } else {
    }
    %eq3A = arith.constant 31 : i32
    %eq3A_6 = arith.cmpi eq, %add3A, %eq3A : i32
    %convert_element_type3A_7 = arith.extui %eq3A_6 : i1 to i32
    %cond3A_8 = arith.constant 0 : i32
    %cond3A_9 = arith.cmpi ne, %convert_element_type3A_7, %cond3A_8 : i32
    scf.if %cond3A_9 {
      %add3A_30 = arith.constant 0 : i32
      %add3A_31 = arith.addi %add3A_30, %mul3A_2 : i32
      "tpu.region"() ({
        %run_scoped3A = tpu.sem_alloc : memref<!tpu.dma_semaphore, #tpu.memory_space<semaphore_mem>>
        %dma_start3A_36 = arith.constant 0 : i32
        %dma_start3A_37 = tpu.memref_slice %arg7[%dma_start3A_36] : memref<18816xf32, #tpu.memory_space<vmem>> -> memref<6064xf32, #tpu.memory_space<vmem>>
        %dma_start3A_38 = tpu.memref_slice %arg2[%add3A_31] : memref<600000xf32, #tpu.memory_space<hbm>> -> memref<6064xf32, #tpu.memory_space<hbm>>
        %dma_start3A_39 = arith.constant 0 : i32
        %dma_start3A_40 = tpu.memref_slice %arg7[%dma_start3A_39] : memref<18816xf32, #tpu.memory_space<vmem>> -> memref<6064xf32, #tpu.memory_space<vmem>>
        %dma_start3A_41 = tpu.memref_slice %arg2[%add3A_31] : memref<600000xf32, #tpu.memory_space<hbm>> -> memref<6064xf32, #tpu.memory_space<hbm>>
        tpu.enqueue_dma source(%dma_start3A_41 : memref<6064xf32, #tpu.memory_space<hbm>>) target(%dma_start3A_40 : memref<6064xf32, #tpu.memory_space<vmem>>) target_semaphore(%run_scoped3A : memref<!tpu.dma_semaphore, #tpu.memory_space<semaphore_mem>>)
        %dma_wait3A_42 = arith.constant 0 : i32
        %dma_wait3A_43 = tpu.memref_slice %arg7[%dma_wait3A_42] : memref<18816xf32, #tpu.memory_space<vmem>> -> memref<6064xf32, #tpu.memory_space<vmem>>
        %dma_wait3A_44 = tpu.memref_slice %arg2[%add3A_31] : memref<600000xf32, #tpu.memory_space<hbm>> -> memref<6064xf32, #tpu.memory_space<hbm>>
        %dma_wait3A_45 = arith.constant 0 : i32
        %dma_wait3A_46 = tpu.memref_slice %arg7[%dma_wait3A_45] : memref<18816xf32, #tpu.memory_space<vmem>> -> memref<6064xf32, #tpu.memory_space<vmem>>
        %dma_wait3A_47 = tpu.memref_slice %arg2[%add3A_31] : memref<600000xf32, #tpu.memory_space<hbm>> -> memref<6064xf32, #tpu.memory_space<hbm>>
        tpu.wait_dma2 semaphore(%run_scoped3A : memref<!tpu.dma_semaphore, #tpu.memory_space<semaphore_mem>>) src(%dma_wait3A_47 : memref<6064xf32, #tpu.memory_space<hbm>>) dst(%dma_wait3A_46 : memref<6064xf32, #tpu.memory_space<vmem>>)
        tpu.yield
      }) : () -> ()
      %add3A_32 = arith.constant 200000 : i32
      %add3A_33 = arith.addi %add3A_32, %mul3A_2 : i32
      "tpu.region"() ({
        %run_scoped3A = tpu.sem_alloc : memref<!tpu.dma_semaphore, #tpu.memory_space<semaphore_mem>>
        %dma_start3A_36 = arith.constant 6272 : i32
        %dma_start3A_37 = tpu.memref_slice %arg7[%dma_start3A_36] : memref<18816xf32, #tpu.memory_space<vmem>> -> memref<6064xf32, #tpu.memory_space<vmem>>
        %dma_start3A_38 = tpu.memref_slice %arg2[%add3A_33] : memref<600000xf32, #tpu.memory_space<hbm>> -> memref<6064xf32, #tpu.memory_space<hbm>>
        %dma_start3A_39 = arith.constant 6272 : i32
        %dma_start3A_40 = tpu.memref_slice %arg7[%dma_start3A_39] : memref<18816xf32, #tpu.memory_space<vmem>> -> memref<6064xf32, #tpu.memory_space<vmem>>
        %dma_start3A_41 = tpu.memref_slice %arg2[%add3A_33] : memref<600000xf32, #tpu.memory_space<hbm>> -> memref<6064xf32, #tpu.memory_space<hbm>>
        tpu.enqueue_dma source(%dma_start3A_41 : memref<6064xf32, #tpu.memory_space<hbm>>) target(%dma_start3A_40 : memref<6064xf32, #tpu.memory_space<vmem>>) target_semaphore(%run_scoped3A : memref<!tpu.dma_semaphore, #tpu.memory_space<semaphore_mem>>)
        %dma_wait3A_42 = arith.constant 6272 : i32
        %dma_wait3A_43 = tpu.memref_slice %arg7[%dma_wait3A_42] : memref<18816xf32, #tpu.memory_space<vmem>> -> memref<6064xf32, #tpu.memory_space<vmem>>
        %dma_wait3A_44 = tpu.memref_slice %arg2[%add3A_33] : memref<600000xf32, #tpu.memory_space<hbm>> -> memref<6064xf32, #tpu.memory_space<hbm>>
        %dma_wait3A_45 = arith.constant 6272 : i32
        %dma_wait3A_46 = tpu.memref_slice %arg7[%dma_wait3A_45] : memref<18816xf32, #tpu.memory_space<vmem>> -> memref<6064xf32, #tpu.memory_space<vmem>>
        %dma_wait3A_47 = tpu.memref_slice %arg2[%add3A_33] : memref<600000xf32, #tpu.memory_space<hbm>> -> memref<6064xf32, #tpu.memory_space<hbm>>
        tpu.wait_dma2 semaphore(%run_scoped3A : memref<!tpu.dma_semaphore, #tpu.memory_space<semaphore_mem>>) src(%dma_wait3A_47 : memref<6064xf32, #tpu.memory_space<hbm>>) dst(%dma_wait3A_46 : memref<6064xf32, #tpu.memory_space<vmem>>)
        tpu.yield
      }) : () -> ()
      %add3A_34 = arith.constant 400000 : i32
      %add3A_35 = arith.addi %add3A_34, %mul3A_2 : i32
      "tpu.region"() ({
        %run_scoped3A = tpu.sem_alloc : memref<!tpu.dma_semaphore, #tpu.memory_space<semaphore_mem>>
        %dma_start3A_36 = arith.constant 12544 : i32
        %dma_start3A_37 = tpu.memref_slice %arg7[%dma_start3A_36] : memref<18816xf32, #tpu.memory_space<vmem>> -> memref<6064xf32, #tpu.memory_space<vmem>>
        %dma_start3A_38 = tpu.memref_slice %arg2[%add3A_35] : memref<600000xf32, #tpu.memory_space<hbm>> -> memref<6064xf32, #tpu.memory_space<hbm>>
        %dma_start3A_39 = arith.constant 12544 : i32
        %dma_start3A_40 = tpu.memref_slice %arg7[%dma_start3A_39] : memref<18816xf32, #tpu.memory_space<vmem>> -> memref<6064xf32, #tpu.memory_space<vmem>>
        %dma_start3A_41 = tpu.memref_slice %arg2[%add3A_35] : memref<600000xf32, #tpu.memory_space<hbm>> -> memref<6064xf32, #tpu.memory_space<hbm>>
        tpu.enqueue_dma source(%dma_start3A_41 : memref<6064xf32, #tpu.memory_space<hbm>>) target(%dma_start3A_40 : memref<6064xf32, #tpu.memory_space<vmem>>) target_semaphore(%run_scoped3A : memref<!tpu.dma_semaphore, #tpu.memory_space<semaphore_mem>>)
        %dma_wait3A_42 = arith.constant 12544 : i32
        %dma_wait3A_43 = tpu.memref_slice %arg7[%dma_wait3A_42] : memref<18816xf32, #tpu.memory_space<vmem>> -> memref<6064xf32, #tpu.memory_space<vmem>>
        %dma_wait3A_44 = tpu.memref_slice %arg2[%add3A_35] : memref<600000xf32, #tpu.memory_space<hbm>> -> memref<6064xf32, #tpu.memory_space<hbm>>
        %dma_wait3A_45 = arith.constant 12544 : i32
        %dma_wait3A_46 = tpu.memref_slice %arg7[%dma_wait3A_45] : memref<18816xf32, #tpu.memory_space<vmem>> -> memref<6064xf32, #tpu.memory_space<vmem>>
        %dma_wait3A_47 = tpu.memref_slice %arg2[%add3A_35] : memref<600000xf32, #tpu.memory_space<hbm>> -> memref<6064xf32, #tpu.memory_space<hbm>>
        tpu.wait_dma2 semaphore(%run_scoped3A : memref<!tpu.dma_semaphore, #tpu.memory_space<semaphore_mem>>) src(%dma_wait3A_47 : memref<6064xf32, #tpu.memory_space<hbm>>) dst(%dma_wait3A_46 : memref<6064xf32, #tpu.memory_space<vmem>>)
        tpu.yield
      }) : () -> ()
    } else {
    }
    %iota3A = tpu.iota {dimensions = array<i32: 0>} : vector<16xi32>
    %broadcast_in_dim3A = arith.constant 0.000000e+00 : f32
    %broadcast_in_dim3A_10 = vector.broadcast %broadcast_in_dim3A : f32 to vector<16xf32>
    %scan3A = arith.constant 0 : i32
    %scan3A_11 = arith.constant 391 : i32
    %scan3A_12 = arith.addi %scan3A, %scan3A_11 : i32
    %scan3A_13 = arith.constant 1 : i32
    %scan3A_14 = scf.for %scan3A_30 = %scan3A to %scan3A_12 step %scan3A_13 iter_args(%scan3A_31 = %broadcast_in_dim3A_10) -> (vector<16xf32>)  : i32 {
      %mul3A_32 = arith.constant 16 : i32
      %mul3A_33 = arith.muli %scan3A_30, %mul3A_32 : i32
      %add3A_34 = arith.addi %mul3A_2, %mul3A_33 : i32
      %add3A_35 = vector.broadcast %add3A_34 : i32 to vector<16xi32>
      %add3A_36 = arith.addi %add3A_35, %iota3A : vector<16xi32>
      %lt3A_37 = arith.constant 199999 : i32
      %lt3A_38 = vector.broadcast %lt3A_37 : i32 to vector<16xi32>
      %lt3A_39 = arith.cmpi slt, %add3A_36, %lt3A_38 : vector<16xi32>
      %add3A_40 = arith.constant 0 : i32
      %add3A_41 = arith.addi %add3A_40, %mul3A_33 : i32
      %get3A = arith.index_cast %add3A_41 : i32 to index
      %get3A_42 = tpu.vector_load %arg7[%get3A] {strides = array<i32>} : memref<18816xf32, #tpu.memory_space<vmem>>, vector<16xf32>,
      %get3A_43 = vector.shape_cast %get3A_42 : vector<16xf32> to vector<16xf32>
      %add3A_44 = arith.constant 0 : i32
      %add3A_45 = arith.addi %add3A_44, %mul3A_33 : i32
      %add3A_46 = arith.constant 1 : i32
      %add3A_47 = arith.addi %add3A_45, %add3A_46 : i32
      %get3A_48 = arith.index_cast %add3A_47 : i32 to index
      %get3A_49 = tpu.vector_load %arg7[%get3A_48] {strides = array<i32>} : memref<18816xf32, #tpu.memory_space<vmem>>, vector<16xf32>,
      %get3A_50 = vector.shape_cast %get3A_49 : vector<16xf32> to vector<16xf32>
      %sub3A = arith.subf %get3A_50, %get3A_43 : vector<16xf32>
      %mul3A_51 = arith.mulf %sub3A, %sub3A : vector<16xf32>
      %add3A_52 = arith.constant 6272 : i32
      %add3A_53 = arith.addi %add3A_52, %mul3A_33 : i32
      %get3A_54 = arith.index_cast %add3A_53 : i32 to index
      %get3A_55 = tpu.vector_load %arg7[%get3A_54] {strides = array<i32>} : memref<18816xf32, #tpu.memory_space<vmem>>, vector<16xf32>,
      %get3A_56 = vector.shape_cast %get3A_55 : vector<16xf32> to vector<16xf32>
      %add3A_57 = arith.constant 6272 : i32
      %add3A_58 = arith.addi %add3A_57, %mul3A_33 : i32
      %add3A_59 = arith.constant 1 : i32
      %add3A_60 = arith.addi %add3A_58, %add3A_59 : i32
      %get3A_61 = arith.index_cast %add3A_60 : i32 to index
      %get3A_62 = tpu.vector_load %arg7[%get3A_61] {strides = array<i32>} : memref<18816xf32, #tpu.memory_space<vmem>>, vector<16xf32>,
      %get3A_63 = vector.shape_cast %get3A_62 : vector<16xf32> to vector<16xf32>
      %sub3A_64 = arith.subf %get3A_63, %get3A_56 : vector<16xf32>
      %mul3A_65 = arith.mulf %sub3A_64, %sub3A_64 : vector<16xf32>
      %add3A_66 = arith.addf %mul3A_51, %mul3A_65 : vector<16xf32>
      %add3A_67 = arith.constant 12544 : i32
      %add3A_68 = arith.addi %add3A_67, %mul3A_33 : i32
      %get3A_69 = arith.index_cast %add3A_68 : i32 to index
      %get3A_70 = tpu.vector_load %arg7[%get3A_69] {strides = array<i32>} : memref<18816xf32, #tpu.memory_space<vmem>>, vector<16xf32>,
      %get3A_71 = vector.shape_cast %get3A_70 : vector<16xf32> to vector<16xf32>
      %add3A_72 = arith.constant 12544 : i32
      %add3A_73 = arith.addi %add3A_72, %mul3A_33 : i32
      %add3A_74 = arith.constant 1 : i32
      %add3A_75 = arith.addi %add3A_73, %add3A_74 : i32
      %get3A_76 = arith.index_cast %add3A_75 : i32 to index
      %get3A_77 = tpu.vector_load %arg7[%get3A_76] {strides = array<i32>} : memref<18816xf32, #tpu.memory_space<vmem>>, vector<16xf32>,
      %get3A_78 = vector.shape_cast %get3A_77 : vector<16xf32> to vector<16xf32>
      %sub3A_79 = arith.subf %get3A_78, %get3A_71 : vector<16xf32>
      %mul3A_80 = arith.mulf %sub3A_79, %sub3A_79 : vector<16xf32>
      %add3A_81 = arith.addf %add3A_66, %mul3A_80 : vector<16xf32>
      %bitcast_convert_type3A = tpu.bitcast %add3A_81 : vector<16xf32> -> vector<16xi32>
      %shift_right_arithmetic3A = arith.constant 1 : i32
      %shift_right_arithmetic3A_82 = vector.broadcast %shift_right_arithmetic3A : i32 to vector<16xi32>
      %shift_right_arithmetic3A_83 = arith.shrsi %bitcast_convert_type3A, %shift_right_arithmetic3A_82 : vector<16xi32>
      %sub3A_84 = arith.constant 1597463007 : i32
      %sub3A_85 = vector.broadcast %sub3A_84 : i32 to vector<16xi32>
      %sub3A_86 = arith.subi %sub3A_85, %shift_right_arithmetic3A_83 : vector<16xi32>
      %bitcast_convert_type3A_87 = tpu.bitcast %sub3A_86 : vector<16xi32> -> vector<16xf32>
      %mul3A_88 = arith.constant 5.000000e-01 : f32
      %mul3A_89 = vector.broadcast %mul3A_88 : f32 to vector<16xf32>
      %mul3A_90 = arith.mulf %add3A_81, %mul3A_89 : vector<16xf32>
      %mul3A_91 = arith.mulf %mul3A_90, %bitcast_convert_type3A_87 : vector<16xf32>
      %mul3A_92 = arith.mulf %mul3A_91, %bitcast_convert_type3A_87 : vector<16xf32>
      %sub3A_93 = arith.constant 1.500000e+00 : f32
      %sub3A_94 = vector.broadcast %sub3A_93 : f32 to vector<16xf32>
      %sub3A_95 = arith.subf %sub3A_94, %mul3A_92 : vector<16xf32>
      %mul3A_96 = arith.mulf %bitcast_convert_type3A_87, %sub3A_95 : vector<16xf32>
      %mul3A_97 = arith.mulf %mul3A_90, %mul3A_96 : vector<16xf32>
      %mul3A_98 = arith.mulf %mul3A_97, %mul3A_96 : vector<16xf32>
      %sub3A_99 = arith.constant 1.500000e+00 : f32
      %sub3A_100 = vector.broadcast %sub3A_99 : f32 to vector<16xf32>
      %sub3A_101 = arith.subf %sub3A_100, %mul3A_98 : vector<16xf32>
      %mul3A_102 = arith.mulf %mul3A_96, %sub3A_101 : vector<16xf32>
      %mul3A_103 = arith.mulf %add3A_81, %mul3A_102 : vector<16xf32>
      %select_n3A = arith.select %lt3A_39, %mul3A_103, %broadcast_in_dim3A_10 : vector<16xi1>, vector<16xf32>
      %add3A_104 = arith.addf %scan3A_31, %select_n3A : vector<16xf32>
      scf.yield %add3A_104 : vector<16xf32>
    }
    %scan3A_15 = arith.constant 391 : i32
    %dma_wait3A = arith.constant 0 : i32
    %dma_wait3A_16 = tpu.memref_slice %arg2[%dma_wait3A] : memref<600000xf32, #tpu.memory_space<hbm>> -> memref<600000xf32, #tpu.memory_space<hbm>>
    tpu.wait_indirect_dma semaphore(%arg9 : memref<!tpu.dma_semaphore, #tpu.memory_space<semaphore_mem>>) src(%dma_wait3A_16 : memref<600000xf32, #tpu.memory_space<hbm>>) dst(%arg6 : memref<18816xf32, #tpu.memory_space<vmem>>)
    %scan3A_17 = arith.constant 0 : i32
    %scan3A_18 = arith.constant 391 : i32
    %scan3A_19 = arith.addi %scan3A_17, %scan3A_18 : i32
    %scan3A_20 = arith.constant 1 : i32
    %scan3A_21 = scf.for %scan3A_30 = %scan3A_17 to %scan3A_19 step %scan3A_20 iter_args(%scan3A_31 = %broadcast_in_dim3A_10) -> (vector<16xf32>)  : i32 {
      %mul3A_32 = arith.constant 16 : i32
      %mul3A_33 = arith.muli %scan3A_30, %mul3A_32 : i32
      %add3A_34 = arith.addi %mul3A_2, %mul3A_33 : i32
      %add3A_35 = vector.broadcast %add3A_34 : i32 to vector<16xi32>
      %add3A_36 = arith.addi %add3A_35, %iota3A : vector<16xi32>
      %lt3A_37 = arith.constant 199999 : i32
      %lt3A_38 = vector.broadcast %lt3A_37 : i32 to vector<16xi32>
      %lt3A_39 = arith.cmpi slt, %add3A_36, %lt3A_38 : vector<16xi32>
      %add3A_40 = arith.constant 0 : i32
      %add3A_41 = arith.addi %add3A_40, %mul3A_33 : i32
      %get3A = arith.index_cast %add3A_41 : i32 to index
      %get3A_42 = tpu.vector_load %arg6[%get3A] {strides = array<i32>} : memref<18816xf32, #tpu.memory_space<vmem>>, vector<16xf32>,
      %get3A_43 = vector.shape_cast %get3A_42 : vector<16xf32> to vector<16xf32>
      %add3A_44 = arith.constant 0 : i32
      %add3A_45 = arith.addi %add3A_44, %mul3A_33 : i32
      %add3A_46 = arith.constant 1 : i32
      %add3A_47 = arith.addi %add3A_45, %add3A_46 : i32
      %get3A_48 = arith.index_cast %add3A_47 : i32 to index
      %get3A_49 = tpu.vector_load %arg6[%get3A_48] {strides = array<i32>} : memref<18816xf32, #tpu.memory_space<vmem>>, vector<16xf32>,
      %get3A_50 = vector.shape_cast %get3A_49 : vector<16xf32> to vector<16xf32>
      %sub3A = arith.subf %get3A_50, %get3A_43 : vector<16xf32>
      %mul3A_51 = arith.mulf %sub3A, %sub3A : vector<16xf32>
      %add3A_52 = arith.constant 6272 : i32
      %add3A_53 = arith.addi %add3A_52, %mul3A_33 : i32
      %get3A_54 = arith.index_cast %add3A_53 : i32 to index
      %get3A_55 = tpu.vector_load %arg6[%get3A_54] {strides = array<i32>} : memref<18816xf32, #tpu.memory_space<vmem>>, vector<16xf32>,
      %get3A_56 = vector.shape_cast %get3A_55 : vector<16xf32> to vector<16xf32>
      %add3A_57 = arith.constant 6272 : i32
      %add3A_58 = arith.addi %add3A_57, %mul3A_33 : i32
      %add3A_59 = arith.constant 1 : i32
      %add3A_60 = arith.addi %add3A_58, %add3A_59 : i32
      %get3A_61 = arith.index_cast %add3A_60 : i32 to index
      %get3A_62 = tpu.vector_load %arg6[%get3A_61] {strides = array<i32>} : memref<18816xf32, #tpu.memory_space<vmem>>, vector<16xf32>,
      %get3A_63 = vector.shape_cast %get3A_62 : vector<16xf32> to vector<16xf32>
      %sub3A_64 = arith.subf %get3A_63, %get3A_56 : vector<16xf32>
      %mul3A_65 = arith.mulf %sub3A_64, %sub3A_64 : vector<16xf32>
      %add3A_66 = arith.addf %mul3A_51, %mul3A_65 : vector<16xf32>
      %add3A_67 = arith.constant 12544 : i32
      %add3A_68 = arith.addi %add3A_67, %mul3A_33 : i32
      %get3A_69 = arith.index_cast %add3A_68 : i32 to index
      %get3A_70 = tpu.vector_load %arg6[%get3A_69] {strides = array<i32>} : memref<18816xf32, #tpu.memory_space<vmem>>, vector<16xf32>,
      %get3A_71 = vector.shape_cast %get3A_70 : vector<16xf32> to vector<16xf32>
      %add3A_72 = arith.constant 12544 : i32
      %add3A_73 = arith.addi %add3A_72, %mul3A_33 : i32
      %add3A_74 = arith.constant 1 : i32
      %add3A_75 = arith.addi %add3A_73, %add3A_74 : i32
      %get3A_76 = arith.index_cast %add3A_75 : i32 to index
      %get3A_77 = tpu.vector_load %arg6[%get3A_76] {strides = array<i32>} : memref<18816xf32, #tpu.memory_space<vmem>>, vector<16xf32>,
      %get3A_78 = vector.shape_cast %get3A_77 : vector<16xf32> to vector<16xf32>
      %sub3A_79 = arith.subf %get3A_78, %get3A_71 : vector<16xf32>
      %mul3A_80 = arith.mulf %sub3A_79, %sub3A_79 : vector<16xf32>
      %add3A_81 = arith.addf %add3A_66, %mul3A_80 : vector<16xf32>
      %bitcast_convert_type3A = tpu.bitcast %add3A_81 : vector<16xf32> -> vector<16xi32>
      %shift_right_arithmetic3A = arith.constant 1 : i32
      %shift_right_arithmetic3A_82 = vector.broadcast %shift_right_arithmetic3A : i32 to vector<16xi32>
      %shift_right_arithmetic3A_83 = arith.shrsi %bitcast_convert_type3A, %shift_right_arithmetic3A_82 : vector<16xi32>
      %sub3A_84 = arith.constant 1597463007 : i32
      %sub3A_85 = vector.broadcast %sub3A_84 : i32 to vector<16xi32>
      %sub3A_86 = arith.subi %sub3A_85, %shift_right_arithmetic3A_83 : vector<16xi32>
      %bitcast_convert_type3A_87 = tpu.bitcast %sub3A_86 : vector<16xi32> -> vector<16xf32>
      %mul3A_88 = arith.constant 5.000000e-01 : f32
      %mul3A_89 = vector.broadcast %mul3A_88 : f32 to vector<16xf32>
      %mul3A_90 = arith.mulf %add3A_81, %mul3A_89 : vector<16xf32>
      %mul3A_91 = arith.mulf %mul3A_90, %bitcast_convert_type3A_87 : vector<16xf32>
      %mul3A_92 = arith.mulf %mul3A_91, %bitcast_convert_type3A_87 : vector<16xf32>
      %sub3A_93 = arith.constant 1.500000e+00 : f32
      %sub3A_94 = vector.broadcast %sub3A_93 : f32 to vector<16xf32>
      %sub3A_95 = arith.subf %sub3A_94, %mul3A_92 : vector<16xf32>
      %mul3A_96 = arith.mulf %bitcast_convert_type3A_87, %sub3A_95 : vector<16xf32>
      %mul3A_97 = arith.mulf %mul3A_90, %mul3A_96 : vector<16xf32>
      %mul3A_98 = arith.mulf %mul3A_97, %mul3A_96 : vector<16xf32>
      %sub3A_99 = arith.constant 1.500000e+00 : f32
      %sub3A_100 = vector.broadcast %sub3A_99 : f32 to vector<16xf32>
      %sub3A_101 = arith.subf %sub3A_100, %mul3A_98 : vector<16xf32>
      %mul3A_102 = arith.mulf %mul3A_96, %sub3A_101 : vector<16xf32>
      %mul3A_103 = arith.mulf %add3A_81, %mul3A_102 : vector<16xf32>
      %select_n3A = arith.select %lt3A_39, %mul3A_103, %broadcast_in_dim3A_10 : vector<16xi1>, vector<16xf32>
      %add3A_104 = arith.addf %scan3A_31, %select_n3A : vector<16xf32>
      scf.yield %add3A_104 : vector<16xf32>
    }
    %scan3A_22 = arith.constant 391 : i32
    %swap3A = arith.constant 0 : index
    %swap3A_23 = tpu.vector_load %arg8[%swap3A] {strides = array<i32>} : memref<32xf32, #tpu.memory_space<vmem>>, vector<16xf32>,
    %swap3A_24 = vector.shape_cast %swap3A_23 : vector<16xf32> to vector<16xf32>
    %swap3A_25 = vector.shape_cast %scan3A_14 : vector<16xf32> to vector<16xf32>
    tpu.vector_store %arg8[%swap3A], %swap3A_25 {strides = array<i32>} : memref<32xf32, #tpu.memory_space<vmem>>, vector<16xf32>,
    %swap3A_26 = arith.constant 16 : index
    %swap3A_27 = tpu.vector_load %arg8[%swap3A_26] {strides = array<i32>} : memref<32xf32, #tpu.memory_space<vmem>>, vector<16xf32>,
    %swap3A_28 = vector.shape_cast %swap3A_27 : vector<16xf32> to vector<16xf32>
    %swap3A_29 = vector.shape_cast %scan3A_21 : vector<16xf32> to vector<16xf32>
    tpu.vector_store %arg8[%swap3A_26], %swap3A_29 {strides = array<i32>} : memref<32xf32, #tpu.memory_space<vmem>>, vector<16xf32>,
    "tpu.region"() ({
      %run_scoped3A = tpu.sem_alloc : memref<!tpu.dma_semaphore, #tpu.memory_space<semaphore_mem>>
      %dma_start3A_30 = arith.constant 0 : i32
      %dma_start3A_31 = tpu.memref_slice %arg4[%add3A, %dma_start3A_30] : memref<32x32xf32, #tpu.memory_space<hbm>> -> memref<1x32xf32, #tpu.memory_space<hbm>>
      %dma_start3A_32 = tpu.memref_squeeze %dma_start3A_31 : memref<1x32xf32, #tpu.memory_space<hbm>> -> memref<32xf32, #tpu.memory_space<hbm>>
      %dma_start3A_33 = arith.constant 0 : i32
      %dma_start3A_34 = tpu.memref_slice %arg4[%add3A, %dma_start3A_33] : memref<32x32xf32, #tpu.memory_space<hbm>> -> memref<1x32xf32, #tpu.memory_space<hbm>>
      %dma_start3A_35 = tpu.memref_squeeze %dma_start3A_34 : memref<1x32xf32, #tpu.memory_space<hbm>> -> memref<32xf32, #tpu.memory_space<hbm>>
      tpu.enqueue_dma source(%arg8 : memref<32xf32, #tpu.memory_space<vmem>>) target(%dma_start3A_35 : memref<32xf32, #tpu.memory_space<hbm>>) target_semaphore(%run_scoped3A : memref<!tpu.dma_semaphore, #tpu.memory_space<semaphore_mem>>)
      %dma_wait3A_36 = arith.constant 0 : i32
      %dma_wait3A_37 = tpu.memref_slice %arg4[%add3A, %dma_wait3A_36] : memref<32x32xf32, #tpu.memory_space<hbm>> -> memref<1x32xf32, #tpu.memory_space<hbm>>
      %dma_wait3A_38 = tpu.memref_squeeze %dma_wait3A_37 : memref<1x32xf32, #tpu.memory_space<hbm>> -> memref<32xf32, #tpu.memory_space<hbm>>
      %dma_wait3A_39 = arith.constant 0 : i32
      %dma_wait3A_40 = tpu.memref_slice %arg4[%add3A, %dma_wait3A_39] : memref<32x32xf32, #tpu.memory_space<hbm>> -> memref<1x32xf32, #tpu.memory_space<hbm>>
      %dma_wait3A_41 = tpu.memref_squeeze %dma_wait3A_40 : memref<1x32xf32, #tpu.memory_space<hbm>> -> memref<32xf32, #tpu.memory_space<hbm>>
      tpu.wait_dma2 semaphore(%run_scoped3A : memref<!tpu.dma_semaphore, #tpu.memory_space<semaphore_mem>>) src(%arg8 : memref<32xf32, #tpu.memory_space<vmem>>) dst(%dma_wait3A_41 : memref<32xf32, #tpu.memory_space<hbm>>)
      tpu.yield
    }) : () -> ()
    return
  }
}

</mosaic_0001>

<sc_bundles>
// kernel: kernel.3.cloned.1.call-start
scs
__scs_entry_jumppad:
0x0: {  	(pc) =	sbr.rel $0x88, $3  }
0x1: {  	(tag) =	ssettag $0x0;
	lr =	simm.s32 $0x1  }
0x2: {  	[smem:$0x3FA0] =	sst lr;
	_ =	strace $0xD0000000  }
0x3: {  	_ = 	snop  }
0x4: {  	_ = 	snop  }
0x5: {  	_ = 	snop  }
0x6: {  	_ = 	snop  }
0x7: {  	_ = 	snop  }
__scs_overlays_trampoline_lowered:
0x8: {  	[smem:$0x3FAF] =	sst s0  }
0x9: {  	[smem:$0x3FB0] =	sst s1  }
0xa: {  	[smem:$0x3FB1] =	sst s2  }
0xb: {  	[smem:$0x3FB2] =	sst s3  }
0xc: {  	[smem:$0x3FB3] =	sst s4  }
0xd: {  	[smem:$0x3FB4] =	sst s5  }
0xe: {  	[smem:$0x3FB5] =	sst s6  }
0xf: {  	[smem:$0x3FB6] =	sst s7  }
0x10: {  	[smem:$0x3FB7] =	sst s8  }
0x11: {  	[smem:$0x3FB8] =	sst s9;
	s0 =	simm.s32 @!p0 $0x0  }
0x12: {  	s1 =	sld [smem:$0x3F9E];
	s0 =	simm.s32 @p0 $0x1  }
0x13: {  	[smem:$0x3FB9] =	sst s0;
	s0 =	simm.s32 @!p1 $0x0  }
0x14: {  	s2 =	sld [smem:$0x3F9D];
	s0 =	simm.s32 @p1 $0x1  }
0x15: {  	[smem:$0x3FBA] =	sst s0;
	s0 =	simm.s32 @!p2 $0x0  }
0x16: {  	s3 =	sld [smem:$0x3FDB];
	s0 =	simm.s32 @p2 $0x1  }
0x17: {  	s4 =	simm.s32 $0x1BF5;
	[smem:$0x3FBC] =	sst s0  }
0x18: {  	s0 =	sld [smem:$0x3F9F];
	_ =	swait.ge [sflag:s4], $0x0  }
0x19: {  	s7 =	sld [smem:$0x3FA0]  }
0x1a: {  	s8 =	sadd.s32 $0xFFFFE003, lr  }
0x1b: {  	s9 =	sadd.s32 $0xFFFFFEF7, lr;
	s5 =	simm.s32 $0xFFFFFFFF;
	p2 =	slt.u32 s8, $0xFFFFF086  }
0x1c: {  	p1 =	slt.u32 s9, $0xF7A;
	s5 =	simm.s32 @!p2 $0x0  }
0x1d: {  	s5 =	simm.s32 @p1 $0x1;
	p0 =	seq.s32 s7, s2  }
0x1e: {  	s7 =	smul.u32 @!p0 $0xF7A, s2;
	p2 =	seq.s32 @!p0 s5, $0x0  }
0x1f: {  	s9 =	smul.u32 $0xF7A, s1;
	s8 =	simm.s32 @!p0 $0x1BF5;
	p2 =	por !p2, p0  }
0x20: {  	[sflag:s8] =	ssyncset.s32 @!p0 $0xFFFFF086;
	s6 =	sadd.s32 @!p0 s3, s7;
	s7 =	simm.s32 @!p0 $0x108  }
0x21: {  	s3 =	sadd.s32 s3, s9;
	s6 =	sadd.s32 @!p0 $0x88, s6;
	s7 =	simm.s32 @p2 $0x1082  }
0x22: {  	[simem:s7], [sflag:s8] =	dma.local @!p0 [hbm:s6], $0xF7A  }
0x23: {  	s9 =	sor.u32 $0xD0000000, s2;
	s6 =	simm.s32 $0x108;
	_ =	swait.ge @!p0 [sflag:s8], $0x0  }
0x24: {  	s3 =	sadd.s32 $0x88, s3;
	s6 =	simm.s32 @!p1 $0x1082;
	[sflag:s4] =	ssyncset.s32 $0xFFFFF086  }
0x25: {  	[simem:s6], [sflag:s4] =	dma.local [hbm:s3], $0xF7A  }
0x26: {  	[smem:$0x3FA0] =	sst s1;
	(tag) =	ssettag s2;
	_ =	strace s9  }
0x27: {  	s1 =	sld [smem:$0x3FB0]  }
0x28: {  	s2 =	sld [smem:$0x3FB1]  }
0x29: {  	s4 =	sld [smem:$0x3FB3]  }
0x2a: {  	p0 =	seq.s32 s5, $0x0;
	s5 =	sld [smem:$0x3FB4]  }
0x2b: {  	s6 =	sld [smem:$0x3FB5]  }
0x2c: {  	s7 =	sld [smem:$0x3FB6]  }
0x2d: {  	s3 =	simm.s32 $0x108;
	s8 =	sld [smem:$0x3FB7]  }
0x2e: {  	s3 =	simm.s32 @!p0 $0x1082;
	s9 =	sld [smem:$0x3FB8]  }
0x2f: {  	lr =	sadd.s32 s0, s3;
	s0 =	sld [smem:$0x3FAF]  }
0x30: {  	s3 =	sld [smem:$0x3FB2]  }
0x31: {  	[smem:$0x3FBB] =	sst s10  }
0x32: {  	s10 =	sld [smem:$0x3FB9];
	_ =	sdelay $0x3  }
0x33: {  	p0 =	seq.s32 s10, $0x1;
	s10 =	sld [smem:$0x3FBB];
	_ =	sdelay $0x3  }
0x34: {  	[smem:$0x3FBB] =	sst s10  }
0x35: {  	s10 =	sld [smem:$0x3FBA];
	_ =	sdelay $0x3  }
0x36: {  	p1 =	seq.s32 s10, $0x1;
	s10 =	sld [smem:$0x3FBB];
	_ =	sdelay $0x3  }
0x37: {  	[smem:$0x3FBB] =	sst s10  }
0x38: {  	s10 =	sld [smem:$0x3FBC]  }
0x39: {  	_ = 	snop;
	(pc) =	sbr.ind lr, $3  }
0x3a: {  	_ = 	snop  }
0x3b: {  	_ = 	snop  }
0x3c: {  	p2 =	seq.s32 s10, $0x1;
	s10 =	sld [smem:$0x3FBB]  }
0x3d: {  	_ =	shalt  }
0x3e: {  	_ =	shalt  }
0x3f: {  	_ =	shalt  }
0x40: {  	_ =	shalt  }
0x41: {  	_ =	shalt  }
0x42: {  	_ =	shalt  }
0x43: {  	_ =	shalt  }
0x44: {  	_ =	shalt  }
0x45: {  	_ =	shalt  }
0x46: {  	_ =	shalt  }
0x47: {  	_ =	shalt  }
0x48: {  	_ =	shalt  }
0x49: {  	_ =	shalt  }
0x4a: {  	_ =	shalt  }
0x4b: {  	_ =	shalt  }
0x4c: {  	_ =	shalt  }
0x4d: {  	_ =	shalt  }
0x4e: {  	_ =	shalt  }
0x4f: {  	_ =	shalt  }
0x50: {  	_ =	shalt  }
0x51: {  	_ =	shalt  }
0x52: {  	_ =	shalt  }
0x53: {  	_ =	shalt  }
0x54: {  	_ =	shalt  }
0x55: {  	_ =	shalt  }
0x56: {  	_ =	shalt  }
0x57: {  	_ =	shalt  }
0x58: {  	_ =	shalt  }
0x59: {  	_ =	shalt  }
0x5a: {  	_ =	shalt  }
0x5b: {  	_ =	shalt  }
0x5c: {  	_ =	shalt  }
0x5d: {  	_ =	shalt  }
0x5e: {  	_ =	shalt  }
0x5f: {  	_ =	shalt  }
0x60: {  	_ =	shalt  }
0x61: {  	_ =	shalt  }
0x62: {  	_ =	shalt  }
0x63: {  	_ =	shalt  }
0x64: {  	_ =	shalt  }
0x65: {  	_ =	shalt  }
0x66: {  	_ =	shalt  }
0x67: {  	_ =	shalt  }
0x68: {  	_ =	shalt  }
0x69: {  	_ =	shalt  }
0x6a: {  	_ =	shalt  }
0x6b: {  	_ =	shalt  }
0x6c: {  	_ =	shalt  }
0x6d: {  	_ =	shalt  }
0x6e: {  	_ =	shalt  }
0x6f: {  	_ =	shalt  }
0x70: {  	_ =	shalt  }
0x71: {  	_ =	shalt  }
0x72: {  	_ =	shalt  }
0x73: {  	_ =	shalt  }
0x74: {  	_ =	shalt  }
0x75: {  	_ =	shalt  }
0x76: {  	_ =	shalt  }
0x77: {  	_ =	shalt  }
0x78: {  	_ =	shalt  }
0x79: {  	_ =	shalt  }
0x7a: {  	_ =	shalt  }
0x7b: {  	_ =	shalt  }
0x7c: {  	_ =	shalt  }
0x7d: {  	_ =	shalt  }
0x7e: {  	_ =	shalt  }
0x7f: {  	_ =	shalt  }
0x80: {  	_ =	shalt  }
0x81: {  	_ =	shalt  }
0x82: {  	_ =	shalt  }
0x83: {  	_ =	shalt  }
0x84: {  	_ =	shalt  }
0x85: {  	_ =	shalt  }
0x86: {  	_ =	shalt  }
0x87: {  	_ =	shalt  }
.Lfunc_end0:
.L_simem_size_0:
called_computation_lowered:
.L_overlay_start_0:
0x88: {  	s2 =	sld [smem:$0x3FD9]  }
0x89: {  	s3 =	sld [smem:$0x3FFE];
	_ =	sdelay $0x1  }
0x8a: {  	s1 =	srdreg.scid  }
0x8b: {  	s0 =	sand.u32 $0x1, s1  }
0x8c: {  	s16 =	sshll.u32 s0, $0xA;
	s2 =	sadd.s32 s3, s2  }
0x8d: {  	s2 =	sadd.s32 s2, s16  }
0x8e: {  	[smem:$0x3FC7] =	sst s2  }
0x8f: {  	_ = 	snop  }
0x90: {  	(tm) =	ssettm $0x1  }
0x91: {  	s17 =	sld [smem:$0x3FFB];
	_ =	sdelay $0x3  }
0x92: {  	_ =	strace s17  }
0x93: {  	s2 =	sld [smem:$0x3FFC];
	_ =	sdelay $0x3  }
0x94: {  	_ =	strace s2  }
0x95: {  	s2 =	sld [smem:$0x3FFD];
	_ =	sdelay $0x3  }
0x96: {  	_ =	strace s2  }
0x97: {  	_ =	strace $0x8FFFFFFF  }
0x98: {  	s18 =	sld [smem:$0x3FDB];
	_ =	sdelay $0x1  }
0x99: {  	s19 =	simm.s32 $_scs_section_size  }
0x9a: {  	s4 =	simm.s32 $_size__tile_overlayer_lowered;
	s5 =	simm.s32 $_tile_overlayer_lowered  }
0x9b: {  	s22 =	simm.s32 $0x1BFF;
	s21 =	sshll.u32 s5, $0x1;
	s2 =	sadd.s32 s19, s18  }
0x9c: {  	s6 =	simm.s32 $0x0;
	s20 =	sshll.u32 s4, $0x1;
	s4 =	sadd.s32 s21, s2  }
0x9d: {  	[timem:s6], [sflag:s22] =	dma.local [hbm:s4], s20  }
0x9e: {  	_ =	swait.ge [sflag:s22], s20  }
0x9f: {  	s3 =	ssub.s32 $0x0, s20;
	[sflag:s22] =	ssyncset.done $0x0  }
0xa0: {  	[sflag:s22] =	ssyncadd.s32 s3;
	_ =	sdelay $0x1  }
0xa1: {  	s23 =	simm.s32 $0x1B8B  }
0xa2: {  	_ =	swait.ge [sflag:s23], $0x1  }
0xa3: {  	[sflag:s23] =	ssyncset.done $0x0  }
0xa4: {  	s25 =	simm.s32 $0x1B8E;
	s24 =	sld [smem:$0x3FFE];
	[sflag:s23] =	ssyncadd.s32 $0xFFFFFFFF  }
0xa5: {  	s26 =	simm.s32 $execute0_lowered;
	[smem:$0x3FD2] =	sst s25  }
0xa6: {  	s4 =	sshll.u32 s26, $0x1;
	_ =	strace $0x80000046;
	[dreg:$0x1] =	wrdreg $0xFFFFFFFF  }
0xa7: {  	s28 =	simm.s32 $_size_execute0_lowered;
	s2 =	sadd.s32 s2, s4;
	[dreg:$0x0] =	wrdreg $0x0  }
0xa8: {  	s4 =	sshll.u32 s28, $0x1;
	[dreg:$0x2] =	wrdreg s2  }
0xa9: {  	[dreg:$0x3] =	wrdreg s4  }
0xaa: {  	[dreg:$0x4] =	wrdreg $0xC0  }
0xab: {  	_ =	task [dreg:s6], $0x5FFFF  }
0xac: {  	[dreg:$0x1] =	wrdreg $0xFFFFFFFF  }
0xad: {  	[dreg:$0x0] =	wrdreg $0x60  }
0xae: {  	[dreg:$0x2] =	wrdreg s24  }
0xaf: {  	[dreg:$0x3] =	wrdreg $0x9  }
0xb0: {  	_ =	task.clear_ibuf [dreg:s6], $0x4FFFF;
	_ =	strace $0x90000046  }
0xb1: {  	s29 =	simm.s32 $0x9;
	_ =	strace $0x80000048  }
0xb2: {  	_ =	swait.ge [sflag:s29], $0x1  }
0xb3: {  	[sflag:s29] =	ssyncadd.s32 $0xFFFFFFFF  }
0xb4: {  	_ =	strace $0x90000048  }
0xb5: {  	_ =	sfence  }
0xb6: {  	s30 =	sld [smem:$0x0];
	_ =	sdelay $0x2  }
0xb7: {  	s31 =	sshll.u32 s1, $0xD;
	s1 =	sshrl.u32 s1, $0x2  }
0xb8: {  	s3 =	sand.u32 $0x4000, s31;
	s1 =	sadd.s32 s1, s30  }
0xb9: {  	s0 =	sor.u32 s3, s0;
	s1 =	sshll.u32 s1, $0x11  }
0xba: {  	s0 =	sor.u32 s1, s0  }
0xbb: {  	s0 =	sadd.s32 $0x8F2B, s0  }
0xbc: {  	[sflag:s0] =	ssyncadd.remote.s32 $0x1  }
0xbd: {  	_ =	sfence.sel $0xFFFF  }
0xbe: {  	[dreg:$0x0] =	wrdreg $0xFFFFFFFF;
	(pc) =	sbr.abs _section_cstart, $3  }
0xbf: {  	[dreg:$0x1] =	wrdreg $0xFFFFFFFF  }
0xc0: {  	_ =	task.clear_ibuf [dreg:s6], $0x2FFFF;
	_ =	strace $0x9FFFFFFF  }
0xc1: {  	(tm) =	ssettm $0x7FFFFFFF  }
tec
execute0_lowered:
.L_overlay_start_1:
0x0: {  	(tag) =	ssettag $0x1  }
0x1: {  	s0 =	srdreg.scid  }
0x2: {  	s2 =	rddreg [dreg:$0x0];
	s3 =	simm.s32 $0x0;
	s16 =	simm.s32 $0x2  }
0x3: {  	s17 =	simm.s32 $0x4980;
	s18 =	simm.s32 $0x1;
	s19 =	simm.s32 $0xDC80  }
0x4: {  	s20 =	simm.s32 $0x0;
	s8 =	sand.u32 $0x1, s0;
	s0 =	stileid.u32  }
0x5: {  	[smem:$0x7FF] =	sst s3;
	s9 =	sadd.s32 $0xC05A, s2;
	s10 =	sadd.s32 $0x12202, s2  }
0x6: {  	s1 =	sshll.u32 s8, $0x4;
	s5 =	sshll.u32 s0, $0x7;
	s13 =	smul.u32 $0x18700, s8  }
0x7: {  	s7 =	ssub.s32 $0x2, s8;
	s8 =	sadd.s32 $0x5EB2, s2;
	s15 =	smul.u32 $0x1870, s0  }
0x8: {  	s14 =	sor.u32 s0, s1;
	s1 =	rddreg [dreg:$0x1];
	s5 =	sand.u32 $0x380, s5  }
0x9: {  	_ =	strace $0x80000047;
	s31 =	sshrl.u32 s7, $0x1;
	s4 =	sshrl.u32 s14, $0x3  }
0xa: {  	s30 =	smul.u32 $0x1870, s14;
	s12 =	ssub.s32 s7, s31;
	s13 =	sadd.s32 s15, s13  }
0xb: {  	p0 =	seq.s32 s14, $0x1F;
	s14 =	simm.s32 $0x80;
	s6 =	smul.u32 $0x24C00, s4  }
0xc: {  	s15 =	simm.s32 $0x400;
	s4 =	sshll.u32 s4, $0xA;
	s12 =	smax.u32 s12, $0x1  }
0xd: {  	v0 =	vlaneseq.u32;
	s4 =	sor.u32 s5, s4;
	s6 =	sor.u32 s5, s6;
	s5 =	sshrl.u32 s30, $0x3  }
0xe: {  	v0 =	vmul.u32 $0xFFFFFFFF, v0;
	s4 =	sshrl.u32 s4, $0x3;
	s6 =	sshrl.u32 s6, $0x3;
	s5 =	sadd.s32 s2, s5  }
0xf: {  	s11 =	sadd.s32 s4, s2;
	s6 =	sadd.s32 s6, s2;
	s7 =	sadd.s32 $0xC350, s5  }
0x10: {  	v0 =	vadd.s32 $0x30D3F, v0;
	s11 =	sadd.s32 $0x24C00, s11;
	s4 =	sadd.s32 $0x12600, s6;
	s6 =	sadd.s32 $0x61A8, s5  }
.LBB2_1:
0x11: {  	[tilespmem:s3], [sflag:$0x2] =	stream.strided.gather [hbm4b:s4+s14], $0x4980, s15, s14, $0x38;
	[tilespmem:$0xDD00] =	vst v63  }
0x12: {  	_ =	swait.ge [sflag:s16], $0x4980  }
0x13: {  	[sflag:s16] =	ssyncset.done $0x0  }
0x14: {  	[sflag:s16] =	ssyncadd.s32 $0xFFFFB680  }
0x15: {  	[tilespmem:s17], [sflag:$0x1] =	stream.indirect.gather [hbm4b:s2+s17], $0x1, s3, s17, $0xb8;
	[tilespmem:$0xDD00] =	vst v63  }
0x16: {  	s21 =	simm.s32 @p0 $0x0;
	s22 =	simm.s32 @p0 $0x9300  }
0x17: {  	[tilespmem:s22], [sflag:$0x2] =	stream.linear.gather @p0 [hbm4b:s8+s21], $0x17B0, $0x38;
	[tilespmem:$0xDD00] =	vst v63  }
0x18: {  	s22 =	simm.s32 @p0 $0x2  }
0x19: {  	_ =	swait.ge @p0 [sflag:s22], $0x17B0  }
0x1a: {  	[sflag:s22] =	ssyncset.done @p0 $0x0  }
0x1b: {  	s23 =	simm.s32 @p0 $0xAB80;
	[sflag:s22] =	ssyncadd.s32 @p0 $0xFFFFE850  }
0x1c: {  	[tilespmem:s23], [sflag:$0x2] =	stream.linear.gather @p0 [hbm4b:s9+s21], $0x17B0, $0x38;
	[tilespmem:$0xDD00] =	vst v63  }
0x1d: {  	_ =	swait.ge @p0 [sflag:s22], $0x17B0  }
0x1e: {  	[sflag:s22] =	ssyncset.done @p0 $0x0  }
0x1f: {  	s23 =	simm.s32 @p0 $0xC400;
	[sflag:s22] =	ssyncadd.s32 @p0 $0xFFFFE850  }
0x20: {  	[tilespmem:s23], [sflag:$0x2] =	stream.linear.gather @p0 [hbm4b:s10+s21], $0x17B0, $0x38;
	[tilespmem:$0xDD00] =	vst v63  }
0x21: {  	_ =	swait.ge @p0 [sflag:s22], $0x17B0  }
0x22: {  	[sflag:s22] =	ssyncset.done @p0 $0x0  }
0x23: {  	s21 =	simm.s32 @!p0 $0x0;
	[sflag:s22] =	ssyncadd.s32 @p0 $0xFFFFE850;
	s22 =	simm.s32 @!p0 $0x9300  }
0x24: {  	[tilespmem:s22], [sflag:$0x2] =	stream.linear.gather @!p0 [hbm4b:s5+s21], $0x1880, $0x38;
	[tilespmem:$0xDD00] =	vst v63  }
0x25: {  	s22 =	simm.s32 @!p0 $0x2  }
0x26: {  	_ =	swait.ge @!p0 [sflag:s22], $0x1880  }
0x27: {  	[sflag:s22] =	ssyncset.done @!p0 $0x0  }
0x28: {  	s23 =	simm.s32 @!p0 $0xAB80;
	[sflag:s22] =	ssyncadd.s32 @!p0 $0xFFFFE780  }
0x29: {  	[tilespmem:s23], [sflag:$0x2] =	stream.linear.gather @!p0 [hbm4b:s6+s21], $0x1880, $0x38;
	[tilespmem:$0xDD00] =	vst v63  }
0x2a: {  	_ =	swait.ge @!p0 [sflag:s22], $0x1880  }
0x2b: {  	[sflag:s22] =	ssyncset.done @!p0 $0x0  }
0x2c: {  	s23 =	simm.s32 @!p0 $0xC400;
	[sflag:s22] =	ssyncadd.s32 @!p0 $0xFFFFE780  }
0x2d: {  	[tilespmem:s23], [sflag:$0x2] =	stream.linear.gather @!p0 [hbm4b:s7+s21], $0x1880, $0x38;
	[tilespmem:$0xDD00] =	vst v63  }
0x2e: {  	_ =	swait.ge @!p0 [sflag:s22], $0x1880  }
0x2f: {  	[sflag:s22] =	ssyncset.done @!p0 $0x0  }
0x30: {  	s30 =	simm.s32 $0x9300;
	[sflag:s22] =	ssyncadd.s32 @!p0 $0xFFFFE780  }
0x31: {  	v1 =	vld [tilespmem:s30+$0x0]  }
0x32: {  	v2 =	vld [tilespmem:s30+$0x1]  }
0x33: {  	s31 =	sand.u32 $0x1FF0, s3;
	v3 =	vld [tilespmem:s30+$0x1881]  }
0x34: {  	v4 =	vld [tilespmem:s31+$0xAB80]  }
0x35: {  	v5 =	vld [tilespmem:s30+$0x3101]  }
0x36: {  	v6 =	vld [tilespmem:s31+$0xC400]  }
0x37: {  	s23 =	simm.s32 $0x9310  }
0x38: {  	v7 =	vld [tilespmem:s23+$0x1881]  }
0x39: {  	v8 =	vld [tilespmem:s23+$0x3101];
	v1 =	vsub.f32 v2, v1;
	v3 =	vsub.f32 v3, v4  }
0x3a: {  	s24 =	simm.s32 $0x10;
	v2 =	vld [tilespmem:s23+$0x0]  }
0x3b: {  	s25 =	sand.u32 $0x1FF0, s24;
	v4 =	vld [tilespmem:s23+$0x1];
	v5 =	vsub.f32 v5, v6;
	v1 =	vmul.f32 v1, v1;
	v3 =	vmul.f32 v3, v3  }
0x3c: {  	s26 =	simm.s32 $0x9320;
	v6 =	vld [tilespmem:s25+$0xAB80]  }
0x3d: {  	s21 =	simm.s32 $0x20;
	v9 =	vld [tilespmem:s26+$0x1881];
	v1 =	vadd.f32 v3, v1;
	v3 =	vmul.f32 v5, v5  }
0x3e: {  	s28 =	sand.u32 $0x1FF0, s21;
	v5 =	vld [tilespmem:s25+$0xC400]  }
0x3f: {  	v10 =	vld [tilespmem:s28+$0xAB80];
	v13 =	vadd.f32 v3, v1  }
0x40: {  	v1 =	vsub.f32 v4, v2;
	v2 =	vld [tilespmem:s26+$0x0]  }
0x41: {  	v3 =	vsub.f32 v7, v6;
	v4 =	vld [tilespmem:s26+$0x1];
	v6 =	vshra.s32 v13, $0x1;
	v7 =	vmul.f32 $5.000000000e-01, v13  }
0x42: {  	v11 =	vld [tilespmem:s26+$0x3101];
	v1 =	vmul.f32 v1, v1;
	v6 =	vsub.s32 $0x5F3759DF, v6  }
0x43: {  	s29 =	simm.s32 $0x9330;
	s22 =	simm.s32 $0x30;
	v12 =	vld [tilespmem:s28+$0xC400];
	v3 =	vmul.f32 v3, v3;
	v5 =	vsub.f32 v8, v5;
	v8 =	vmul.f32 v6, v7  }
0x44: {  	v17 =	vld [tilespmem:s29+$0x3101];
	s25 =	sand.u32 $0x1FF0, s22  }
0x45: {  	v19 =	vld [tilespmem:s25+$0xC400];
	v1 =	vadd.f32 v3, v1;
	v3 =	vmul.f32 v5, v5;
	v5 =	vmul.f32 v6, v8  }
0x46: {  	v2 =	vsub.f32 v4, v2;
	v4 =	vld [tilespmem:s29+$0x0]  }
0x47: {  	v8 =	vld [tilespmem:s29+$0x1];
	v1 =	vadd.f32 v3, v1;
	v3 =	vsub.f32 $1.500000000e+00, v5  }
0x48: {  	v2 =	vmul.f32 v2, v2;
	v5 =	vsub.f32 v9, v10;
	v9 =	vld [tilespmem:s29+$0x1881]  }
0x49: {  	v10 =	vld [tilespmem:s25+$0xAB80];
	v14 =	vshra.s32 v1, $0x1;
	v18 =	vmul.f32 $5.000000000e-01, v1;
	v15 =	vmul.f32 v6, v3  }
0x4a: {  	v14 =	vsub.s32 $0x5F3759DF, v14;
	v5 =	vmul.f32 v5, v5;
	v6 =	vsub.f32 v11, v12  }
0x4b: {  	s30 =	simm.s32 $0x9340;
	v11 =	vmul.f32 v14, v18;
	v7 =	vmul.f32 v15, v7  }
0x4c: {  	v20 =	vld [tilespmem:s30+$0x1];
	v4 =	vsub.f32 v8, v4;
	v2 =	vadd.f32 v5, v2;
	v5 =	vmul.f32 v6, v6  }
0x4d: {  	s23 =	simm.s32 $0x40;
	v17 =	vsub.f32 v17, v19;
	v8 =	vld [tilespmem:s30+$0x0];
	v6 =	vmul.f32 v14, v11;
	v7 =	vmul.f32 v7, v15  }
0x4e: {  	s31 =	sadd.s32 $0x0, s13;
	s26 =	sand.u32 $0x1FF0, s23;
	v10 =	vsub.f32 v9, v10;
	v9 =	vld [tilespmem:s30+$0x1881];
	v12 =	vmul.f32 v4, v4;
	v2 =	vadd.f32 v5, v2  }
0x4f: {  	v11 =	vld [tilespmem:s26+$0xAB80];
	v5 =	vmov s31;
	v16 =	vsub.f32 $1.500000000e+00, v6;
	v7 =	vsub.f32 $1.500000000e+00, v7  }
0x50: {  	vm0 =	vlt.u32 v5, v0;
	v4 =	vshra.s32 v2, $0x1;
	v6 =	vmul.f32 $5.000000000e-01, v2  }
0x51: {  	v5 =	vsub.s32 $0x5F3759DF, v4;
	v4 =	vmul.f32 v14, v16;
	v21 =	vmul.f32 v7, v15  }
0x52: {  	v16 =	vmul.f32 v10, v10;
	v10 =	vsub.f32 v20, v8;
	v8 =	vld [tilespmem:s26+$0xC400];
	v15 =	vmul.f32 v5, v6  }
0x53: {  	s25 =	simm.s32 $0x9350;
	v3 =	vimm.f32 $0.0e+00;
	s26 =	simm.s32 $0x50;
	v7 =	vld [tilespmem:s30+$0x3101];
	v14 =	vmul.f32 v4, v18;
	v13 =	vmul.f32 v21, v13  }
.LBB2_2:
0x54: {  	v18 =	vld [tilespmem:s25+$0x0];
	p1 =	sne.s32 s26, $0x1860;
	v19 =	vsub.f32 v9, v11;
	v11 =	vadd.f32 v16, v12;
	v12 =	vmul.f32 v17, v17;
	v20 =	vmovc v2  }
0x55: {  	v15 =	vmul.f32 v5, v15;
	s28 =	sadd.s32 s24, s13;
	v22 =	vmovc v6;
	s24 =	smov.u32 s21;
	s21 =	smov.u32 s22;
	v21 =	vld [tilespmem:s25+$0x1];
	v14 =	vmul.f32 v14, v4;
	v13 =	vnsel vm0, $0x0, v13  }
0x56: {  	s29 =	sand.u32 $0x1FF0, s26;
	s22 =	smov.u32 s23;
	s23 =	smov.u32 s26;
	v6 =	vmov s28;
	v9 =	vld [tilespmem:s25+$0x1881];
	v2 =	vadd.f32 v12, v11;
	v3 =	vadd.f32 v13, v3  }
.Ltmp0:
0x57: {  	v13 =	vsub.f32 $1.500000000e+00, v15;
	vm0 =	vlt.u32 v6, v0;
	v11 =	vld [tilespmem:s29+$0xAB80];
	v14 =	vsub.f32 $1.500000000e+00, v14;
	(pc) =	sbr.rel @p1 .LBB2_2-.Ltmp0, $4  }
0x58: {  	v12 =	vmul.f32 v10, v10;
	v10 =	vshra.s32 v2, $0x1;
	v6 =	vmul.f32 $5.000000000e-01, v2  }
0x59: {  	v23 =	vmul.f32 v14, v4;
	v4 =	vmul.f32 v5, v13;
	v5 =	vsub.s32 $0x5F3759DF, v10  }
0x5a: {  	v16 =	vmul.f32 v19, v19;
	v17 =	vsub.f32 v7, v8;
	v7 =	vld [tilespmem:s25+$0x3101];
	v15 =	vmul.f32 v5, v6  }
0x5b: {  	s26 =	sadd.s32 $0x10, s26;
	v10 =	vsub.f32 v21, v18;
	s25 =	sadd.s32 $0x10, s25;
	v8 =	vld [tilespmem:s29+$0xC400];
	v14 =	vmul.f32 v4, v22;
	v13 =	vmul.f32 v23, v1;
	v1 =	vmovc v20  }
0x5c: {  	v12 =	vadd.f32 v16, v12;
	v16 =	vmul.f32 v17, v17;
	_ =	sdelay $0x1  }
0x5d: {  	v15 =	vmul.f32 v5, v15;
	v9 =	vsub.f32 v9, v11;
	v12 =	vadd.f32 v16, v12  }
0x5e: {  	v10 =	vmul.f32 v10, v10  }
0x5f: {  	v11 =	vsub.f32 $1.500000000e+00, v15;
	v9 =	vmul.f32 v9, v9;
	v15 =	vshra.s32 v12, $0x1  }
0x60: {  	_ =	swait.ge [sflag:s18], $0x4980;
	v16 =	vmul.f32 $5.000000000e-01, v12;
	v7 =	vsub.f32 v7, v8;
	v8 =	vmul.f32 v14, v4  }
0x61: {  	s25 =	simm.s32 $0x4980;
	[sflag:s18] =	ssyncset.done $0x0;
	v5 =	vmul.f32 v5, v11;
	v9 =	vadd.f32 v9, v10;
	v14 =	vsub.s32 $0x5F3759DF, v15  }
0x62: {  	s24 =	sadd.s32 s24, s13;
	s29 =	simm.s32 $0x0;
	[sflag:s18] =	ssyncadd.s32 $0xFFFFB680;
	v10 =	vnsel vm0, $0x0, v13;
	v11 =	vmul.f32 v14, v16;
	v7 =	vmul.f32 v7, v7  }
0x63: {  	v13 =	vld [tilespmem:s25+$0x0];
	v15 =	vmov s24;
	s24 =	sand.u32 $0x1FF0, s29;
	v8 =	vsub.f32 $1.500000000e+00, v8;
	v6 =	vmul.f32 v5, v6  }
0x64: {  	v3 =	vadd.f32 v10, v3;
	v18 =	vld [tilespmem:s24+$0x6200];
	v11 =	vmul.f32 v14, v11;
	v7 =	vadd.f32 v7, v9  }
0x65: {  	vm0 =	vlt.u32 v15, v0;
	v9 =	vld [tilespmem:s25+$0x1];
	v4 =	vmul.f32 v8, v4;
	v6 =	vmul.f32 v6, v5  }
0x66: {  	v8 =	vld [tilespmem:s25+$0x1881];
	v10 =	vsub.f32 $1.500000000e+00, v11;
	v11 =	vshra.s32 v7, $0x1;
	v17 =	vmul.f32 $5.000000000e-01, v7  }
0x67: {  	v15 =	vld [tilespmem:s24+$0x7A80];
	v1 =	vmul.f32 v4, v1;
	v4 =	vsub.f32 $1.500000000e+00, v6;
	v6 =	vsub.s32 $0x5F3759DF, v11  }
0x68: {  	v11 =	vld [tilespmem:s25+$0x3101];
	v10 =	vmul.f32 v14, v10;
	v14 =	vmul.f32 v6, v17  }
0x69: {  	v1 =	vnsel vm0, $0x0, v1;
	v4 =	vmul.f32 v4, v5  }
0x6a: {  	s21 =	sadd.s32 s21, s13;
	s30 =	simm.s32 $0x4990;
	v1 =	vadd.f32 v1, v3;
	v3 =	vmul.f32 v10, v16;
	v5 =	vmul.f32 v6, v14  }
0x6b: {  	v9 =	vsub.f32 v9, v13;
	v13 =	vld [tilespmem:s30+$0x0];
	v8 =	vsub.f32 v8, v18;
	v14 =	vmov s21  }
0x6c: {  	v2 =	vmul.f32 v4, v2;
	s21 =	simm.s32 $0x10;
	v16 =	vld [tilespmem:s30+$0x1881];
	v3 =	vmul.f32 v3, v10;
	v4 =	vsub.f32 $1.500000000e+00, v5  }
0x6d: {  	s31 =	sand.u32 $0x1FF0, s21;
	v9 =	vmul.f32 v9, v9;
	v8 =	vmul.f32 v8, v8;
	v5 =	vld [tilespmem:s30+$0x1];
	v11 =	vsub.f32 v11, v15  }
0x6e: {  	vm0 =	vlt.u32 v14, v0;
	v3 =	vsub.f32 $1.500000000e+00, v3;
	v4 =	vmul.f32 v6, v4;
	v6 =	vld [tilespmem:s31+$0x6200]  }
0x6f: {  	s22 =	sadd.s32 s22, s13;
	v14 =	vld [tilespmem:s30+$0x3101];
	v2 =	vnsel vm0, $0x0, v2;
	v8 =	vadd.f32 v8, v9;
	v9 =	vmul.f32 v11, v11  }
0x70: {  	v15 =	vld [tilespmem:s31+$0x7A80];
	v11 =	vmov s22;
	v3 =	vmul.f32 v3, v10;
	v10 =	vmul.f32 v4, v17  }
0x71: {  	s25 =	simm.s32 $0x49A0;
	v1 =	vadd.f32 v2, v1;
	vm0 =	vlt.u32 v11, v0;
	v11 =	vadd.f32 v9, v8  }
0x72: {  	v8 =	vld [tilespmem:s25+$0x0];
	v5 =	vsub.f32 v5, v13;
	v2 =	vmul.f32 v3, v12;
	v3 =	vmul.f32 v10, v4  }
0x73: {  	s22 =	simm.s32 $0x20;
	v9 =	vld [tilespmem:s25+$0x1];
	v10 =	vshra.s32 v11, $0x1;
	v12 =	vmul.f32 $5.000000000e-01, v11;
	v6 =	vsub.f32 v16, v6  }
0x74: {  	s26 =	sand.u32 $0x1FF0, s22;
	v13 =	vld [tilespmem:s25+$0x1881];
	v5 =	vmul.f32 v5, v5;
	v10 =	vsub.s32 $0x5F3759DF, v10;
	v3 =	vsub.f32 $1.500000000e+00, v3  }
0x75: {  	s23 =	sadd.s32 s23, s13;
	v14 =	vsub.f32 v14, v15;
	v16 =	vld [tilespmem:s26+$0x6200];
	v15 =	vmul.f32 v10, v12;
	v6 =	vmul.f32 v6, v6  }
0x76: {  	v17 =	vmov s23;
	v18 =	vld [tilespmem:s26+$0x7A80];
	v2 =	vnsel vm0, $0x0, v2;
	v3 =	vmul.f32 v3, v4  }
0x77: {  	s28 =	simm.s32 $0x49B0;
	v4 =	vld [tilespmem:s25+$0x3101];
	v5 =	vadd.f32 v6, v5;
	v6 =	vmul.f32 v14, v14;
	v14 =	vmul.f32 v10, v15  }
0x78: {  	v1 =	vadd.f32 v2, v1;
	v3 =	vmul.f32 v3, v7;
	v7 =	vsub.f32 v9, v8;
	v8 =	vld [tilespmem:s28+$0x0]  }
0x79: {  	s23 =	simm.s32 $0x30;
	vm0 =	vlt.u32 v17, v0;
	v9 =	vld [tilespmem:s28+$0x1];
	v2 =	vadd.f32 v6, v5;
	v5 =	vsub.f32 $1.500000000e+00, v14  }
0x7a: {  	s29 =	sand.u32 $0x1FF0, s23;
	v6 =	vsub.f32 v13, v16;
	v13 =	vld [tilespmem:s28+$0x1881];
	v3 =	vnsel vm0, $0x0, v3;
	v7 =	vmul.f32 v7, v7  }
0x7b: {  	s30 =	simm.s32 $0x49C0;
	v14 =	vld [tilespmem:s29+$0x6200];
	v15 =	vshra.s32 v2, $0x1;
	v19 =	vmul.f32 $5.000000000e-01, v2;
	v16 =	vmul.f32 v10, v5  }
0x7c: {  	v20 =	vld [tilespmem:s30+$0x1];
	v6 =	vmul.f32 v6, v6;
	v4 =	vsub.f32 v4, v18;
	v5 =	vsub.s32 $0x5F3759DF, v15  }
0x7d: {  	v1 =	vadd.f32 v3, v1;
	v18 =	vld [tilespmem:s29+$0x7A80];
	v10 =	vmul.f32 v5, v19;
	v12 =	vmul.f32 v16, v12  }
0x7e: {  	s24 =	simm.s32 $0x40;
	v3 =	vimm.f32 $0.0e+00;
	v15 =	vld [tilespmem:s28+$0x3101];
	v6 =	vadd.f32 v6, v7;
	v4 =	vmul.f32 v4, v4  }
0x7f: {  	s31 =	sadd.s32 $0x0, s13;
	s26 =	sand.u32 $0x1FF0, s24;
	v7 =	vsub.f32 v9, v8;
	v9 =	vld [tilespmem:s30+$0x0];
	v8 =	vmul.f32 v5, v10;
	v10 =	vmul.f32 v12, v16  }
0x80: {  	v12 =	vsub.f32 v13, v14;
	v4 =	vadd.f32 v4, v6;
	v6 =	vmov s31;
	v13 =	vld [tilespmem:s26+$0x6200]  }
0x81: {  	v14 =	vmul.f32 v7, v7;
	v8 =	vsub.f32 $1.500000000e+00, v8;
	v17 =	vsub.f32 $1.500000000e+00, v10;
	v10 =	vld [tilespmem:s30+$0x1881]  }
0x82: {  	vm0 =	vlt.u32 v6, v0;
	v6 =	vshra.s32 v4, $0x1;
	v7 =	vmul.f32 $5.000000000e-01, v4  }
0x83: {  	v6 =	vsub.s32 $0x5F3759DF, v6;
	v5 =	vmul.f32 v5, v8;
	v21 =	vmul.f32 v17, v16  }
0x84: {  	v18 =	vsub.f32 v15, v18;
	v8 =	vld [tilespmem:s30+$0x3101];
	v17 =	vmul.f32 v12, v12;
	v16 =	vmul.f32 v6, v7  }
0x85: {  	s25 =	simm.s32 $0x49D0;
	v12 =	vsub.f32 v20, v9;
	v9 =	vld [tilespmem:s26+$0x7A80];
	s26 =	simm.s32 $0x50;
	v15 =	vmul.f32 v5, v19;
	v11 =	vmul.f32 v21, v11  }
.LBB2_4:
0x86: {  	v19 =	vld [tilespmem:s25+$0x0];
	p1 =	sne.s32 s26, $0x1860;
	v20 =	vsub.f32 v10, v13;
	v13 =	vadd.f32 v17, v14;
	v14 =	vmul.f32 v18, v18;
	v21 =	vmovc v4  }
0x87: {  	v16 =	vmul.f32 v6, v16;
	s28 =	sadd.s32 s21, s13;
	v23 =	vmovc v7;
	s21 =	smov.u32 s22;
	s22 =	smov.u32 s23;
	v22 =	vld [tilespmem:s25+$0x1];
	v15 =	vmul.f32 v15, v5;
	v11 =	vnsel vm0, $0x0, v11  }
0x88: {  	s29 =	sand.u32 $0x1FF0, s26;
	s23 =	smov.u32 s24;
	s24 =	smov.u32 s26;
	v7 =	vmov s28;
	v10 =	vld [tilespmem:s25+$0x1881];
	v4 =	vadd.f32 v14, v13;
	v3 =	vadd.f32 v11, v3  }
.Ltmp1:
0x89: {  	v11 =	vsub.f32 $1.500000000e+00, v16;
	vm0 =	vlt.u32 v7, v0;
	v13 =	vld [tilespmem:s29+$0x6200];
	v15 =	vsub.f32 $1.500000000e+00, v15;
	(pc) =	sbr.rel @p1 .LBB2_4-.Ltmp1, $4  }
0x8a: {  	v14 =	vmul.f32 v12, v12;
	v12 =	vshra.s32 v4, $0x1;
	v7 =	vmul.f32 $5.000000000e-01, v4  }
0x8b: {  	v24 =	vmul.f32 v15, v5;
	v5 =	vmul.f32 v6, v11;
	v6 =	vsub.s32 $0x5F3759DF, v12  }
0x8c: {  	v17 =	vmul.f32 v20, v20;
	v18 =	vsub.f32 v8, v9;
	v8 =	vld [tilespmem:s25+$0x3101];
	v16 =	vmul.f32 v6, v7  }
0x8d: {  	s26 =	sadd.s32 $0x10, s26;
	v12 =	vsub.f32 v22, v19;
	s25 =	sadd.s32 $0x10, s25;
	v9 =	vld [tilespmem:s29+$0x7A80];
	v15 =	vmul.f32 v5, v23;
	v11 =	vmul.f32 v24, v2;
	v2 =	vmovc v21  }
0x8e: {  	_ =	sdelay $0x1  }
0x8f: {  	v10 =	vsub.f32 v10, v13  }
0x90: {  	v38 =	vadd.f32 v17, v14;
	v39 =	vmul.f32 v18, v18  }
0x91: {  	v12 =	vmul.f32 v12, v12;
	v10 =	vmul.f32 v10, v10;
	v8 =	vsub.f32 v8, v9;
	_ =	sdelay $0x1  }
0x92: {  	v40 =	vadd.f32 v39, v38;
	v10 =	vadd.f32 v10, v12;
	v8 =	vmul.f32 v8, v8;
	_ =	sdelay $0x1  }
0x93: {  	v41 =	vshra.s32 v40, $0x1;
	v13 =	vmul.f32 $5.000000000e-01, v40;
	v8 =	vadd.f32 v8, v10  }
0x94: {  	v42 =	vmul.f32 v6, v16;
	v12 =	vsub.s32 $0x5F3759DF, v41  }
0x95: {  	v43 =	vmul.f32 v12, v13;
	v44 =	vshra.s32 v8, $0x1;
	v45 =	vmul.f32 $5.000000000e-01, v8  }
0x96: {  	v10 =	vsub.f32 $1.500000000e+00, v42;
	v16 =	vsub.s32 $0x5F3759DF, v44  }
0x97: {  	v14 =	vmul.f32 v12, v43;
	v46 =	vmul.f32 v16, v45  }
0x98: {  	v47 =	vmul.f32 v6, v10  }
0x99: {  	v48 =	vsub.f32 $1.500000000e+00, v14;
	v49 =	vmul.f32 v16, v46  }
0x9a: {  	v15 =	vmul.f32 v15, v5;
	v7 =	vmul.f32 v47, v7  }
0x9b: {  	v10 =	vmul.f32 v12, v48;
	v50 =	vsub.f32 $1.500000000e+00, v49  }
0x9c: {  	v51 =	vsub.f32 $1.500000000e+00, v15;
	v7 =	vmul.f32 v7, v47  }
0x9d: {  	s21 =	sadd.s32 s21, s13;
	v13 =	vmul.f32 v10, v13;
	v12 =	vmul.f32 v16, v50  }
0x9e: {  	v53 =	vmov s21;
	v52 =	vmul.f32 v51, v5  }
0x9f: {  	v7 =	vsub.f32 $1.500000000e+00, v7;
	v13 =	vmul.f32 v13, v10;
	v54 =	vmul.f32 v12, v45  }
0xa0: {  	v11 =	vnsel vm0, $0x0, v11;
	vm12 =	vlt.u32 v53, v0;
	v2 =	vmul.f32 v52, v2  }
0xa1: {  	s29 =	sadd.s32 s22, s13;
	v55 =	vmul.f32 v7, v47;
	v56 =	vsub.f32 $1.500000000e+00, v13;
	v57 =	vmul.f32 v54, v12  }
0xa2: {  	v58 =	vmov s29;
	v3 =	vadd.f32 v11, v3;
	v2 =	vnsel vm12, $0x0, v2  }
0xa3: {  	s30 =	sadd.s32 s23, s13;
	v4 =	vmul.f32 v55, v4;
	v59 =	vmul.f32 v56, v10;
	v60 =	vsub.f32 $1.500000000e+00, v57  }
0xa4: {  	v61 =	vmov s30;
	vm13 =	vlt.u32 v58, v0;
	v2 =	vadd.f32 v2, v3  }
0xa5: {  	v3 =	vnsel vm13, $0x0, v4;
	v5 =	vmul.f32 v59, v40;
	v6 =	vmul.f32 v60, v12  }
0xa6: {  	s31 =	sadd.s32 s24, s13;
	vm14 =	vlt.u32 v61, v0;
	v2 =	vadd.f32 v3, v2  }
0xa7: {  	v62 =	vmov s31;
	v3 =	vnsel vm14, $0x0, v5;
	v63 =	vmul.f32 v6, v8  }
0xa8: {  	vm15 =	vlt.u32 v62, v0;
	v2 =	vadd.f32 v3, v2  }
0xa9: {  	v3 =	vnsel vm15, $0x0, v63  }
0xaa: {  	s20 =	sadd.s32 $0x1, s20;
	v2 =	vadd.f32 v3, v2  }
0xab: {  	[tilespmem:$0xDC80] =	vst v1;
	p1 =	sne.s32 s20, s12  }
.Ltmp2:
0xac: {  	[tilespmem:$0xDC90] =	vst v2;
	(pc) =	sbr.rel @p1 .LBB2_1-.Ltmp2, $4  }
0xad: {  	[hbm4b:s11+s3] =	stream.linear.scatter [tilespmem:s19], [sflag:$0x2], $0x80, $0x38;
	[tilespmem:$0xDD00] =	vst v63  }
0xae: {  	_ =	swait.ge [sflag:s16], $0x80  }
0xaf: {  	[sflag:s16] =	ssyncset.done $0x0  }
0xb0: {  	[sflag:s16] =	ssyncadd.s32 $0xFFFFFF80  }
0xb1: {  	_ =	sfence.sel $0x180000  }
0xb2: {  	[bflag:$0x0] =	sbarrier.arrive $0xFFFF  }
0xb3: {  	p0 =	sne.s32 s0, $0x0;
	_ =	strace $0x90000047  }
0xb4: {  	s0 =	sadd.s32 @!p0 $0x100000, s1;
	[bflag:$0x2] =	sbarrier.arrive $0xFFFF  }
0xb5: {  	[sflag:s0] =	ssyncadd.tile.s32 @!p0 $0x1;
	_ =	shalt  }
.Lfunc_end2:
_tile_overlayer_lowered:
.L_overlay_start_2:
0xb6: {  	(tag) =	ssettag $0x2  }
0xb7: {  	s0 =	rddreg [dreg:$0x0];
	s2 =	stileid.u32  }
0xb8: {  	s1 =	rddreg [dreg:$0x1];
	p0 =	sne.s32 s2, $0x0  }
0xb9: {  	s3 =	rddreg [dreg:$0x2];
	[bflag:$0x3] =	sbarrier.arrive $0xFFFF;
	s2 =	simm.s32 @!p0 $0x1C02  }
0xba: {  	[timem:s3], [sflag:s2] =	dma.local @!p0 [hbm:s0], s1  }
0xbb: {  	s0 =	simm.s32 @!p0 $0x2  }
0xbc: {  	_ =	swait.ge @!p0 [sflag:s0], s1  }
0xbd: {  	s1 =	ssub.s32 @!p0 $0x0, s1;
	[sflag:s0] =	ssyncset.done @!p0 $0x0  }
0xbe: {  	[sflag:s0] =	ssyncadd.s32 @!p0 s1  }
0xbf: {  	[bflag:$0x3] =	sbarrier.arrive $0xFFFF  }
0xc0: {  	_ =	shalt  }

</sc_bundles>
